<compile_context>
chip_gen: v7x
topology: tpu7x:2x2x1
jax: 0.10.2.dev20260603
libtpu: 0.0.44.dev20260713+nightly
codegen_flags: <defaults>
</compile_context>

<pallas_src>
import functools

import jax
import jax.numpy as jnp
from jax import lax
from jax.experimental import pallas as pl
from jax.experimental.pallas import tpu as pltpu
from jax.experimental.pallas import tpu_sc as plsc



def _sc_gather(table, idx):
    NB, NS_ = idx.shape
    NT = NB * NS_
    D = table.shape[1]
    info = plsc.get_sparse_core_info()
    NC, NS = info.num_cores, info.num_subcores
    NW = NC * NS
    per_w = NT // NW
    CH = 64
    n_ch = per_w // CH

    mesh = plsc.VectorSubcoreMesh(core_axis_name="c", subcore_axis_name="s")

    @functools.partial(
        pl.kernel,
        mesh=mesh,
        out_type=jax.ShapeDtypeStruct((NT, D), jnp.float32),
        scratch_types=(
            [pltpu.VMEM((per_w,), jnp.int32)]
            + [pltpu.VMEM((CH, D), jnp.float32)] * n_ch
            + [pltpu.SemaphoreType.DMA] * (2 * n_ch)
        ),
    )
    def gk(idx_hbm, table_hbm, out_hbm, idx_v, *scr):
        rows = scr[:n_ch]
        sg = scr[n_ch:2 * n_ch]
        sw = scr[2 * n_ch:]
        wid = lax.axis_index("s") * NC + lax.axis_index("c")
        base = wid * per_w
        row = base // NS_
        col = base - row * NS_
        pltpu.sync_copy(idx_hbm.at[row, pl.ds(col, per_w)], idx_v)
        gathers = [
            pltpu.async_copy(table_hbm.at[idx_v.at[pl.ds(j * CH, CH)]],
                             rows[j], sg[j])
            for j in range(n_ch)
        ]
        writes = []
        for j in range(n_ch):
            gathers[j].wait()
            writes.append(pltpu.async_copy(
                rows[j], out_hbm.at[pl.ds(base + j * CH, CH)], sw[j]))
        for w in writes:
            w.wait()

    return gk(idx, table)



def _tc_body(w_ref, tt_ref, pw_ref, pb_ref, pos_ref, tb_ref, g_ref, bt_ref,
             o_ref):
    B, BSS, E = w_ref.shape
    H = pos_ref.shape[-1]
    x = jnp.dot(w_ref[...].reshape(B * BSS, E), pw_ref[...],
                preferred_element_type=jnp.float32).reshape(B, BSS, H)
    x = x + pb_ref[...] + pos_ref[...][None]
    tid = tt_ref[0].astype(jnp.float32)
    x = x + tb_ref[0:1, :] + tid * (tb_ref[1:2, :] - tb_ref[0:1, :])
    mean = jnp.mean(x, axis=2, keepdims=True)
    xc = x - mean
    var = jnp.mean(xc * xc, axis=2, keepdims=True)
    inv = lax.rsqrt(var + 1e-5)
    o_ref[...] = (xc * inv) * g_ref[...] + bt_ref[...]


def kernel(input_ids, token_type_ids, word_table, proj_W, proj_b,
           pos_table, type_table, ln_gamma, ln_beta):
    B, S = input_ids.shape
    V, E = word_table.shape
    H = proj_W.shape[1]
    BSS = 512

    gathered = _sc_gather(word_table,
                          input_ids.astype(jnp.int32)).reshape(B, S, E)
    tt = (token_type_ids.astype(jnp.int8)
          .reshape(B, S // BSS, BSS).transpose(1, 0, 2)
          .reshape(S // BSS, B, BSS, 1))

    out = pl.pallas_call(
        _tc_body,
        grid=(S // BSS,),
        in_specs=[
            pl.BlockSpec((B, BSS, E), lambda s: (0, s, 0)),
            pl.BlockSpec((1, B, BSS, 1), lambda s: (s, 0, 0, 0)),
            pl.BlockSpec((E, H), lambda s: (0, 0)),
            pl.BlockSpec((H,), lambda s: (0,)),
            pl.BlockSpec((BSS, H), lambda s: (s, 0)),
            pl.BlockSpec((2, H), lambda s: (0, 0)),
            pl.BlockSpec((H,), lambda s: (0,)),
            pl.BlockSpec((H,), lambda s: (0,)),
        ],
        out_specs=pl.BlockSpec((B, BSS, H), lambda s: (0, s, 0)),
        out_shape=jax.ShapeDtypeStruct((B, S, H), jnp.float32),
    )(gathered, tt, proj_W, proj_b, pos_table,
      type_table, ln_gamma, ln_beta)

    return out

# --- scband reference (transcript-rebuilt; emitter-appended) ---
"""Pipeline reference for scband-albertembeddings-21500606284398 (READ-ONLY COPY).

The authoritative reference and input builder live on the scoring server;
editing this copy changes nothing except your own understanding.
"""

import jax, jax.numpy as jnp
import numpy as np

VOCAB = 100000
EMB = 128
HID = 1024
MAXPOS = 2048
B, S = 4, 2048

def setup_inputs(seed: int = 0) -> dict:
    key = jax.random.key(seed)
    ks = jax.random.split(key, 8)
    input_ids = jax.random.randint(ks[0], (B, S), 0, VOCAB, dtype=jnp.int64 if jax.config.jax_enable_x64 else jnp.int32)
    token_type_ids = jax.random.randint(ks[1], (B, S), 0, 2, dtype=jnp.int64 if jax.config.jax_enable_x64 else jnp.int32)
    word_table = jax.random.normal(ks[2], (VOCAB, EMB), dtype=jnp.float32) * 0.02
    proj_W = jax.random.normal(ks[3], (EMB, HID), dtype=jnp.float32) * (1.0 / np.sqrt(EMB))
    proj_b = jnp.zeros((HID,), dtype=jnp.float32)
    pos_table = jax.random.normal(ks[4], (MAXPOS, HID), dtype=jnp.float32) * 0.02
    type_table = jax.random.normal(ks[5], (2, HID), dtype=jnp.float32) * 0.02
    ln_gamma = jnp.ones((HID,), dtype=jnp.float32)
    ln_beta = jnp.zeros((HID,), dtype=jnp.float32)
    return {
        "input_ids": input_ids,
        "token_type_ids": token_type_ids,
        "word_table": word_table,
        "proj_W": proj_W,
        "proj_b": proj_b,
        "pos_table": pos_table,
        "type_table": type_table,
        "ln_gamma": ln_gamma,
        "ln_beta": ln_beta,
    }

def reference(input_ids, token_type_ids, word_table, proj_W, proj_b, pos_table, type_table, ln_gamma, ln_beta):
    seq_length = input_ids.shape[1]
    # word embedding lookup (gather) + factorized projection
    word_embeds = jnp.take(word_table, input_ids, axis=0)          # [B, S, EMB]
    word_embeds = jnp.dot(word_embeds, proj_W) + proj_b            # [B, S, HID]
    # position embeddings
    position_embeds = pos_table[:seq_length][None, :, :]           # [1, S, HID]
    # token type embeddings
    token_type_embeds = jnp.take(type_table, token_type_ids, axis=0)  # [B, S, HID]
    embeddings = word_embeds + position_embeds + token_type_embeds
    # LayerNorm (eps=1e-5, biased variance like torch)
    mean = jnp.mean(embeddings, axis=-1, keepdims=True)
    var = jnp.var(embeddings, axis=-1, keepdims=True)
    embeddings = (embeddings - mean) / jnp.sqrt(var + 1e-5)
    embeddings = embeddings * ln_gamma + ln_beta
    # dropout is identity in eval mode
    return embeddings

if __name__ == "__main__":
    import jax
    _d = setup_inputs()
    print(jax.jit(kernel)(*tuple(_d.values())))

</pallas_src>

<mosaic_0001>
#map = affine_map<(d0, d1) -> (0, 0)>
module attributes {stable_mosaic.version = 14 : i64} {
  func.func @gk(%arg0: i32, %arg1: i32, %arg2: memref<4x2048xi32, #tpu.memory_space<hbm>>, %arg3: memref<100000x128xf32, #tpu.memory_space<hbm>>, %arg4: memref<8192x128xf32, #tpu.memory_space<hbm>>, %arg5: memref<256xi32, #tpu.memory_space<vmem>>, %arg6: memref<64x128xf32, #tpu.memory_space<vmem>>, %arg7: memref<64x128xf32, #tpu.memory_space<vmem>>, %arg8: memref<64x128xf32, #tpu.memory_space<vmem>>, %arg9: memref<64x128xf32, #tpu.memory_space<vmem>>, %arg10: memref<!tpu.dma_semaphore, #tpu.memory_space<semaphore_mem>>, %arg11: memref<!tpu.dma_semaphore, #tpu.memory_space<semaphore_mem>>, %arg12: memref<!tpu.dma_semaphore, #tpu.memory_space<semaphore_mem>>, %arg13: memref<!tpu.dma_semaphore, #tpu.memory_space<semaphore_mem>>, %arg14: memref<!tpu.dma_semaphore, #tpu.memory_space<semaphore_mem>>, %arg15: memref<!tpu.dma_semaphore, #tpu.memory_space<semaphore_mem>>, %arg16: memref<!tpu.dma_semaphore, #tpu.memory_space<semaphore_mem>>, %arg17: memref<!tpu.dma_semaphore, #tpu.memory_space<semaphore_mem>>) attributes {dimension_semantics = [#tpu.dimension_semantics<core_parallel>, #tpu.dimension_semantics<subcore_parallel>], iteration_bounds = array<i64: 2, 16>, scalar_prefetch = 0 : i64, scratch_operands = 13 : i64, tpu.core_type = #tpu.core_type<sc_vector_subcore>, window_params = [{transform_indices = #map}, {transform_indices = #map}, {transform_indices = #map}]} {
    %mul3A = arith.constant 2 : i32
    %mul3A_0 = arith.muli %arg1, %mul3A : i32
    %add3A = arith.addi %mul3A_0, %arg0 : i32
    %mul3A_1 = arith.constant 256 : i32
    %mul3A_2 = arith.muli %add3A, %mul3A_1 : i32
    %jit3A = arith.constant 2048 : i32
    %div3A = arith.divsi %mul3A_2, %jit3A : i32
    %sign3A = arith.constant 0 : i32
    %sign3A_3 = arith.cmpi sgt, %mul3A_2, %sign3A : i32
    %sign3A_4 = arith.extui %sign3A_3 : i1 to i32
    %sign3A_5 = arith.constant 0 : i32
    %sign3A_6 = arith.cmpi slt, %mul3A_2, %sign3A_5 : i32
    %sign3A_7 = arith.extui %sign3A_6 : i1 to i32
    %sign3A_8 = arith.subi %sign3A_4, %sign3A_7 : i32
    %sign3A_9 = arith.constant 0 : i32
    %sign3A_10 = arith.cmpi sgt, %jit3A, %sign3A_9 : i32
    %sign3A_11 = arith.extui %sign3A_10 : i1 to i32
    %sign3A_12 = arith.constant 0 : i32
    %sign3A_13 = arith.cmpi slt, %jit3A, %sign3A_12 : i32
    %sign3A_14 = arith.extui %sign3A_13 : i1 to i32
    %sign3A_15 = arith.subi %sign3A_11, %sign3A_14 : i32
    %ne3A = arith.cmpi ne, %sign3A_8, %sign3A_15 : i32
    %rem3A = arith.remsi %mul3A_2, %jit3A : i32
    %ne3A_16 = arith.constant 0 : i32
    %ne3A_17 = arith.cmpi ne, %rem3A, %ne3A_16 : i32
    %and3A = arith.andi %ne3A, %ne3A_17 : i1
    %sub3A = arith.constant 1 : i32
    %sub3A_18 = arith.subi %div3A, %sub3A : i32
    %select_n3A = arith.select %and3A, %sub3A_18, %div3A : i32
    %mul3A_19 = arith.constant 2048 : i32
    %mul3A_20 = arith.muli %select_n3A, %mul3A_19 : i32
    %sub3A_21 = arith.subi %mul3A_2, %mul3A_20 : i32
    "tpu.region"() ({
      %run_scoped3A = tpu.sem_alloc : memref<!tpu.dma_semaphore, #tpu.memory_space<semaphore_mem>>
      %dma_start3A_100 = tpu.memref_slice %arg2[%select_n3A, %sub3A_21] : memref<4x2048xi32, #tpu.memory_space<hbm>> -> memref<1x256xi32, #tpu.memory_space<hbm>>
      %dma_start3A_101 = tpu.memref_squeeze %dma_start3A_100 : memref<1x256xi32, #tpu.memory_space<hbm>> -> memref<256xi32, #tpu.memory_space<hbm>>
      %dma_start3A_102 = tpu.memref_slice %arg2[%select_n3A, %sub3A_21] : memref<4x2048xi32, #tpu.memory_space<hbm>> -> memref<1x256xi32, #tpu.memory_space<hbm>>
      %dma_start3A_103 = tpu.memref_squeeze %dma_start3A_102 : memref<1x256xi32, #tpu.memory_space<hbm>> -> memref<256xi32, #tpu.memory_space<hbm>>
      tpu.enqueue_dma source(%dma_start3A_103 : memref<256xi32, #tpu.memory_space<hbm>>) target(%arg5 : memref<256xi32, #tpu.memory_space<vmem>>) target_semaphore(%run_scoped3A : memref<!tpu.dma_semaphore, #tpu.memory_space<semaphore_mem>>)
      %dma_wait3A_104 = tpu.memref_slice %arg2[%select_n3A, %sub3A_21] : memref<4x2048xi32, #tpu.memory_space<hbm>> -> memref<1x256xi32, #tpu.memory_space<hbm>>
      %dma_wait3A_105 = tpu.memref_squeeze %dma_wait3A_104 : memref<1x256xi32, #tpu.memory_space<hbm>> -> memref<256xi32, #tpu.memory_space<hbm>>
      %dma_wait3A_106 = tpu.memref_slice %arg2[%select_n3A, %sub3A_21] : memref<4x2048xi32, #tpu.memory_space<hbm>> -> memref<1x256xi32, #tpu.memory_space<hbm>>
      %dma_wait3A_107 = tpu.memref_squeeze %dma_wait3A_106 : memref<1x256xi32, #tpu.memory_space<hbm>> -> memref<256xi32, #tpu.memory_space<hbm>>
      tpu.wait_dma2 semaphore(%run_scoped3A : memref<!tpu.dma_semaphore, #tpu.memory_space<semaphore_mem>>) src(%dma_wait3A_107 : memref<256xi32, #tpu.memory_space<hbm>>) dst(%arg5 : memref<256xi32, #tpu.memory_space<vmem>>)
      tpu.yield
    }) : () -> ()
    %dma_start3A = arith.constant 0 : i32
    %dma_start3A_22 = tpu.memref_slice %arg5[%dma_start3A] : memref<256xi32, #tpu.memory_space<vmem>> -> memref<64xi32, #tpu.memory_space<vmem>>
    %dma_start3A_23 = arith.constant 0 : i32
    %dma_start3A_24 = arith.constant 0 : i32
    %dma_start3A_25 = tpu.memref_slice %arg3[%dma_start3A_23, %dma_start3A_24] : memref<100000x128xf32, #tpu.memory_space<hbm>> -> memref<100000x128xf32, #tpu.memory_space<hbm>>
    tpu.enqueue_indirect_dma source(%dma_start3A_25 : memref<100000x128xf32, #tpu.memory_space<hbm>>) target(%arg6 : memref<64x128xf32, #tpu.memory_space<vmem>>) offsets(%dma_start3A_22 : memref<64xi32, #tpu.memory_space<vmem>>) semaphore(%arg10 : memref<!tpu.dma_semaphore, #tpu.memory_space<semaphore_mem>>)
    %dma_start3A_26 = arith.constant 64 : i32
    %dma_start3A_27 = tpu.memref_slice %arg5[%dma_start3A_26] : memref<256xi32, #tpu.memory_space<vmem>> -> memref<64xi32, #tpu.memory_space<vmem>>
    %dma_start3A_28 = arith.constant 0 : i32
    %dma_start3A_29 = arith.constant 0 : i32
    %dma_start3A_30 = tpu.memref_slice %arg3[%dma_start3A_28, %dma_start3A_29] : memref<100000x128xf32, #tpu.memory_space<hbm>> -> memref<100000x128xf32, #tpu.memory_space<hbm>>
    tpu.enqueue_indirect_dma source(%dma_start3A_30 : memref<100000x128xf32, #tpu.memory_space<hbm>>) target(%arg7 : memref<64x128xf32, #tpu.memory_space<vmem>>) offsets(%dma_start3A_27 : memref<64xi32, #tpu.memory_space<vmem>>) semaphore(%arg11 : memref<!tpu.dma_semaphore, #tpu.memory_space<semaphore_mem>>)
    %dma_start3A_31 = arith.constant 128 : i32
    %dma_start3A_32 = tpu.memref_slice %arg5[%dma_start3A_31] : memref<256xi32, #tpu.memory_space<vmem>> -> memref<64xi32, #tpu.memory_space<vmem>>
    %dma_start3A_33 = arith.constant 0 : i32
    %dma_start3A_34 = arith.constant 0 : i32
    %dma_start3A_35 = tpu.memref_slice %arg3[%dma_start3A_33, %dma_start3A_34] : memref<100000x128xf32, #tpu.memory_space<hbm>> -> memref<100000x128xf32, #tpu.memory_space<hbm>>
    tpu.enqueue_indirect_dma source(%dma_start3A_35 : memref<100000x128xf32, #tpu.memory_space<hbm>>) target(%arg8 : memref<64x128xf32, #tpu.memory_space<vmem>>) offsets(%dma_start3A_32 : memref<64xi32, #tpu.memory_space<vmem>>) semaphore(%arg12 : memref<!tpu.dma_semaphore, #tpu.memory_space<semaphore_mem>>)
    %dma_start3A_36 = arith.constant 192 : i32
    %dma_start3A_37 = tpu.memref_slice %arg5[%dma_start3A_36] : memref<256xi32, #tpu.memory_space<vmem>> -> memref<64xi32, #tpu.memory_space<vmem>>
    %dma_start3A_38 = arith.constant 0 : i32
    %dma_start3A_39 = arith.constant 0 : i32
    %dma_start3A_40 = tpu.memref_slice %arg3[%dma_start3A_38, %dma_start3A_39] : memref<100000x128xf32, #tpu.memory_space<hbm>> -> memref<100000x128xf32, #tpu.memory_space<hbm>>
    tpu.enqueue_indirect_dma source(%dma_start3A_40 : memref<100000x128xf32, #tpu.memory_space<hbm>>) target(%arg9 : memref<64x128xf32, #tpu.memory_space<vmem>>) offsets(%dma_start3A_37 : memref<64xi32, #tpu.memory_space<vmem>>) semaphore(%arg13 : memref<!tpu.dma_semaphore, #tpu.memory_space<semaphore_mem>>)
    %dma_wait3A = arith.constant 0 : i32
    %dma_wait3A_41 = tpu.memref_slice %arg5[%dma_wait3A] : memref<256xi32, #tpu.memory_space<vmem>> -> memref<64xi32, #tpu.memory_space<vmem>>
    %dma_wait3A_42 = arith.constant 0 : i32
    %dma_wait3A_43 = arith.constant 0 : i32
    %dma_wait3A_44 = tpu.memref_slice %arg3[%dma_wait3A_42, %dma_wait3A_43] : memref<100000x128xf32, #tpu.memory_space<hbm>> -> memref<100000x128xf32, #tpu.memory_space<hbm>>
    tpu.wait_indirect_dma semaphore(%arg10 : memref<!tpu.dma_semaphore, #tpu.memory_space<semaphore_mem>>) src(%dma_wait3A_44 : memref<100000x128xf32, #tpu.memory_space<hbm>>) dst(%arg6 : memref<64x128xf32, #tpu.memory_space<vmem>>)
    %add3A_45 = arith.constant 0 : i32
    %add3A_46 = arith.addi %mul3A_2, %add3A_45 : i32
    %dma_start3A_47 = arith.constant 0 : i32
    %dma_start3A_48 = tpu.memref_slice %arg4[%add3A_46, %dma_start3A_47] : memref<8192x128xf32, #tpu.memory_space<hbm>> -> memref<64x128xf32, #tpu.memory_space<hbm>>
    %dma_start3A_49 = arith.constant 0 : i32
    %dma_start3A_50 = tpu.memref_slice %arg4[%add3A_46, %dma_start3A_49] : memref<8192x128xf32, #tpu.memory_space<hbm>> -> memref<64x128xf32, #tpu.memory_space<hbm>>
    tpu.enqueue_dma source(%arg6 : memref<64x128xf32, #tpu.memory_space<vmem>>) target(%dma_start3A_50 : memref<64x128xf32, #tpu.memory_space<hbm>>) target_semaphore(%arg14 : memref<!tpu.dma_semaphore, #tpu.memory_space<semaphore_mem>>)
    %dma_wait3A_51 = arith.constant 64 : i32
    %dma_wait3A_52 = tpu.memref_slice %arg5[%dma_wait3A_51] : memref<256xi32, #tpu.memory_space<vmem>> -> memref<64xi32, #tpu.memory_space<vmem>>
    %dma_wait3A_53 = arith.constant 0 : i32
    %dma_wait3A_54 = arith.constant 0 : i32
    %dma_wait3A_55 = tpu.memref_slice %arg3[%dma_wait3A_53, %dma_wait3A_54] : memref<100000x128xf32, #tpu.memory_space<hbm>> -> memref<100000x128xf32, #tpu.memory_space<hbm>>
    tpu.wait_indirect_dma semaphore(%arg11 : memref<!tpu.dma_semaphore, #tpu.memory_space<semaphore_mem>>) src(%dma_wait3A_55 : memref<100000x128xf32, #tpu.memory_space<hbm>>) dst(%arg7 : memref<64x128xf32, #tpu.memory_space<vmem>>)
    %add3A_56 = arith.constant 64 : i32
    %add3A_57 = arith.addi %mul3A_2, %add3A_56 : i32
    %dma_start3A_58 = arith.constant 0 : i32
    %dma_start3A_59 = tpu.memref_slice %arg4[%add3A_57, %dma_start3A_58] : memref<8192x128xf32, #tpu.memory_space<hbm>> -> memref<64x128xf32, #tpu.memory_space<hbm>>
    %dma_start3A_60 = arith.constant 0 : i32
    %dma_start3A_61 = tpu.memref_slice %arg4[%add3A_57, %dma_start3A_60] : memref<8192x128xf32, #tpu.memory_space<hbm>> -> memref<64x128xf32, #tpu.memory_space<hbm>>
    tpu.enqueue_dma source(%arg7 : memref<64x128xf32, #tpu.memory_space<vmem>>) target(%dma_start3A_61 : memref<64x128xf32, #tpu.memory_space<hbm>>) target_semaphore(%arg15 : memref<!tpu.dma_semaphore, #tpu.memory_space<semaphore_mem>>)
    %dma_wait3A_62 = arith.constant 128 : i32
    %dma_wait3A_63 = tpu.memref_slice %arg5[%dma_wait3A_62] : memref<256xi32, #tpu.memory_space<vmem>> -> memref<64xi32, #tpu.memory_space<vmem>>
    %dma_wait3A_64 = arith.constant 0 : i32
    %dma_wait3A_65 = arith.constant 0 : i32
    %dma_wait3A_66 = tpu.memref_slice %arg3[%dma_wait3A_64, %dma_wait3A_65] : memref<100000x128xf32, #tpu.memory_space<hbm>> -> memref<100000x128xf32, #tpu.memory_space<hbm>>
    tpu.wait_indirect_dma semaphore(%arg12 : memref<!tpu.dma_semaphore, #tpu.memory_space<semaphore_mem>>) src(%dma_wait3A_66 : memref<100000x128xf32, #tpu.memory_space<hbm>>) dst(%arg8 : memref<64x128xf32, #tpu.memory_space<vmem>>)
    %add3A_67 = arith.constant 128 : i32
    %add3A_68 = arith.addi %mul3A_2, %add3A_67 : i32
    %dma_start3A_69 = arith.constant 0 : i32
    %dma_start3A_70 = tpu.memref_slice %arg4[%add3A_68, %dma_start3A_69] : memref<8192x128xf32, #tpu.memory_space<hbm>> -> memref<64x128xf32, #tpu.memory_space<hbm>>
    %dma_start3A_71 = arith.constant 0 : i32
    %dma_start3A_72 = tpu.memref_slice %arg4[%add3A_68, %dma_start3A_71] : memref<8192x128xf32, #tpu.memory_space<hbm>> -> memref<64x128xf32, #tpu.memory_space<hbm>>
    tpu.enqueue_dma source(%arg8 : memref<64x128xf32, #tpu.memory_space<vmem>>) target(%dma_start3A_72 : memref<64x128xf32, #tpu.memory_space<hbm>>) target_semaphore(%arg16 : memref<!tpu.dma_semaphore, #tpu.memory_space<semaphore_mem>>)
    %dma_wait3A_73 = arith.constant 192 : i32
    %dma_wait3A_74 = tpu.memref_slice %arg5[%dma_wait3A_73] : memref<256xi32, #tpu.memory_space<vmem>> -> memref<64xi32, #tpu.memory_space<vmem>>
    %dma_wait3A_75 = arith.constant 0 : i32
    %dma_wait3A_76 = arith.constant 0 : i32
    %dma_wait3A_77 = tpu.memref_slice %arg3[%dma_wait3A_75, %dma_wait3A_76] : memref<100000x128xf32, #tpu.memory_space<hbm>> -> memref<100000x128xf32, #tpu.memory_space<hbm>>
    tpu.wait_indirect_dma semaphore(%arg13 : memref<!tpu.dma_semaphore, #tpu.memory_space<semaphore_mem>>) src(%dma_wait3A_77 : memref<100000x128xf32, #tpu.memory_space<hbm>>) dst(%arg9 : memref<64x128xf32, #tpu.memory_space<vmem>>)
    %add3A_78 = arith.constant 192 : i32
    %add3A_79 = arith.addi %mul3A_2, %add3A_78 : i32
    %dma_start3A_80 = arith.constant 0 : i32
    %dma_start3A_81 = tpu.memref_slice %arg4[%add3A_79, %dma_start3A_80] : memref<8192x128xf32, #tpu.memory_space<hbm>> -> memref<64x128xf32, #tpu.memory_space<hbm>>
    %dma_start3A_82 = arith.constant 0 : i32
    %dma_start3A_83 = tpu.memref_slice %arg4[%add3A_79, %dma_start3A_82] : memref<8192x128xf32, #tpu.memory_space<hbm>> -> memref<64x128xf32, #tpu.memory_space<hbm>>
    tpu.enqueue_dma source(%arg9 : memref<64x128xf32, #tpu.memory_space<vmem>>) target(%dma_start3A_83 : memref<64x128xf32, #tpu.memory_space<hbm>>) target_semaphore(%arg17 : memref<!tpu.dma_semaphore, #tpu.memory_space<semaphore_mem>>)
    %dma_wait3A_84 = arith.constant 0 : i32
    %dma_wait3A_85 = tpu.memref_slice %arg4[%add3A_46, %dma_wait3A_84] : memref<8192x128xf32, #tpu.memory_space<hbm>> -> memref<64x128xf32, #tpu.memory_space<hbm>>
    %dma_wait3A_86 = arith.constant 0 : i32
    %dma_wait3A_87 = tpu.memref_slice %arg4[%add3A_46, %dma_wait3A_86] : memref<8192x128xf32, #tpu.memory_space<hbm>> -> memref<64x128xf32, #tpu.memory_space<hbm>>
    tpu.wait_dma2 semaphore(%arg14 : memref<!tpu.dma_semaphore, #tpu.memory_space<semaphore_mem>>) src(%arg6 : memref<64x128xf32, #tpu.memory_space<vmem>>) dst(%dma_wait3A_87 : memref<64x128xf32, #tpu.memory_space<hbm>>)
    %dma_wait3A_88 = arith.constant 0 : i32
    %dma_wait3A_89 = tpu.memref_slice %arg4[%add3A_57, %dma_wait3A_88] : memref<8192x128xf32, #tpu.memory_space<hbm>> -> memref<64x128xf32, #tpu.memory_space<hbm>>
    %dma_wait3A_90 = arith.constant 0 : i32
    %dma_wait3A_91 = tpu.memref_slice %arg4[%add3A_57, %dma_wait3A_90] : memref<8192x128xf32, #tpu.memory_space<hbm>> -> memref<64x128xf32, #tpu.memory_space<hbm>>
    tpu.wait_dma2 semaphore(%arg15 : memref<!tpu.dma_semaphore, #tpu.memory_space<semaphore_mem>>) src(%arg7 : memref<64x128xf32, #tpu.memory_space<vmem>>) dst(%dma_wait3A_91 : memref<64x128xf32, #tpu.memory_space<hbm>>)
    %dma_wait3A_92 = arith.constant 0 : i32
    %dma_wait3A_93 = tpu.memref_slice %arg4[%add3A_68, %dma_wait3A_92] : memref<8192x128xf32, #tpu.memory_space<hbm>> -> memref<64x128xf32, #tpu.memory_space<hbm>>
    %dma_wait3A_94 = arith.constant 0 : i32
    %dma_wait3A_95 = tpu.memref_slice %arg4[%add3A_68, %dma_wait3A_94] : memref<8192x128xf32, #tpu.memory_space<hbm>> -> memref<64x128xf32, #tpu.memory_space<hbm>>
    tpu.wait_dma2 semaphore(%arg16 : memref<!tpu.dma_semaphore, #tpu.memory_space<semaphore_mem>>) src(%arg8 : memref<64x128xf32, #tpu.memory_space<vmem>>) dst(%dma_wait3A_95 : memref<64x128xf32, #tpu.memory_space<hbm>>)
    %dma_wait3A_96 = arith.constant 0 : i32
    %dma_wait3A_97 = tpu.memref_slice %arg4[%add3A_79, %dma_wait3A_96] : memref<8192x128xf32, #tpu.memory_space<hbm>> -> memref<64x128xf32, #tpu.memory_space<hbm>>
    %dma_wait3A_98 = arith.constant 0 : i32
    %dma_wait3A_99 = tpu.memref_slice %arg4[%add3A_79, %dma_wait3A_98] : memref<8192x128xf32, #tpu.memory_space<hbm>> -> memref<64x128xf32, #tpu.memory_space<hbm>>
    tpu.wait_dma2 semaphore(%arg17 : memref<!tpu.dma_semaphore, #tpu.memory_space<semaphore_mem>>) src(%arg9 : memref<64x128xf32, #tpu.memory_space<vmem>>) dst(%dma_wait3A_99 : memref<64x128xf32, #tpu.memory_space<hbm>>)
    return
  }
}

module attributes {stable_mosaic.version = 14 : i64} {
  func.func @_tc_body(%arg0: i32, %arg1: memref<4x512x128xf32, #tpu.memory_space<vmem>>, %arg2: memref<1x4x512x1xi8, #tpu.memory_space<vmem>>, %arg3: memref<128x1024xf32, #tpu.memory_space<vmem>>, %arg4: memref<1024xf32, #tpu.memory_space<vmem>>, %arg5: memref<512x1024xf32, #tpu.memory_space<vmem>>, %arg6: memref<2x1024xf32, #tpu.memory_space<vmem>>, %arg7: memref<1024xf32, #tpu.memory_space<vmem>>, %arg8: memref<1024xf32, #tpu.memory_space<vmem>>, %arg9: memref<4x512x1024xf32, #tpu.memory_space<vmem>>) attributes {dimension_semantics = [#tpu.dimension_semantics<arbitrary>], iteration_bounds = array<i64: 4>, scalar_prefetch = 0 : i64, scratch_operands = 0 : i64, tpu.core_type = #tpu.core_type<tc>, window_params = [{transform_indices = @transform_0, window_bounds = array<i64: 4, 512, 128>}, {transform_indices = @transform_1, window_bounds = array<i64: 1, 4, 512, 1>}, {pipeline_mode = #tpu.pipeline_mode<synchronous>, transform_indices = @transform_2, window_bounds = array<i64: 128, 1024>}, {pipeline_mode = #tpu.pipeline_mode<synchronous>, transform_indices = @transform_3, window_bounds = array<i64: 1024>}, {transform_indices = @transform_4, window_bounds = array<i64: 512, 1024>}, {pipeline_mode = #tpu.pipeline_mode<synchronous>, transform_indices = @transform_5, window_bounds = array<i64: 2, 1024>}, {pipeline_mode = #tpu.pipeline_mode<synchronous>, transform_indices = @transform_6, window_bounds = array<i64: 1024>}, {pipeline_mode = #tpu.pipeline_mode<synchronous>, transform_indices = @transform_7, window_bounds = array<i64: 1024>}, {transform_indices = @transform_8, window_bounds = array<i64: 4, 512, 1024>}]} {
    %get3A = arith.constant 0 : index
    %get3A_0 = arith.constant 0 : index
    %get3A_1 = arith.constant 0 : index
    %get3A_2 = vector.load %arg1[%get3A, %get3A_0, %get3A_1] : memref<4x512x128xf32, #tpu.memory_space<vmem>>, vector<4x512x128xf32>
    %reshape3A = vector.shape_cast %get3A_2 : vector<4x512x128xf32> to vector<2048x128xf32>
    %get3A_3 = arith.constant 0 : index
    %get3A_4 = arith.constant 0 : index
    %get3A_5 = vector.load %arg3[%get3A_3, %get3A_4] : memref<128x1024xf32, #tpu.memory_space<vmem>>, vector<128x1024xf32>
    %dot_general3A = arith.constant dense<0.000000e+00> : vector<2048x1024xf32>
    %dot_general3A_6 = tpu.matmul %reshape3A, %get3A_5, %dot_general3A {dimension_numbers = #tpu.dot_dimension_numbers<[1], [0], [0], [1], [0, 0, 1, 1], [], []>, transpose_lhs_hint = false} : vector<2048x128xf32>, vector<128x1024xf32>, vector<2048x1024xf32> -> vector<2048x1024xf32>
    %reshape3A_7 = vector.shape_cast %dot_general3A_6 : vector<2048x1024xf32> to vector<4x512x1024xf32>
    %get3A_8 = arith.constant 0 : index
    %get3A_9 = vector.load %arg4[%get3A_8] : memref<1024xf32, #tpu.memory_space<vmem>>, vector<1024xf32>
    %broadcast_in_dim3A = vector.shape_cast %get3A_9 : vector<1024xf32> to vector<1x1x1024xf32>
    %add3A = vector.broadcast %broadcast_in_dim3A : vector<1x1x1024xf32> to vector<4x512x1024xf32>
    %add3A_10 = arith.addf %reshape3A_7, %add3A : vector<4x512x1024xf32>
    %get3A_11 = arith.constant 0 : index
    %get3A_12 = arith.constant 0 : index
    %get3A_13 = vector.load %arg5[%get3A_11, %get3A_12] : memref<512x1024xf32, #tpu.memory_space<vmem>>, vector<512x1024xf32>
    %broadcast_in_dim3A_14 = vector.shape_cast %get3A_13 : vector<512x1024xf32> to vector<1x512x1024xf32>
    %add3A_15 = vector.broadcast %broadcast_in_dim3A_14 : vector<1x512x1024xf32> to vector<4x512x1024xf32>
    %add3A_16 = arith.addf %add3A_10, %add3A_15 : vector<4x512x1024xf32>
    %get3A_17 = arith.constant 0 : index
    %get3A_18 = arith.constant 0 : index
    %get3A_19 = arith.constant 0 : index
    %get3A_20 = arith.constant 0 : index
    %get3A_21 = vector.load %arg2[%get3A_17, %get3A_18, %get3A_19, %get3A_20] : memref<1x4x512x1xi8, #tpu.memory_space<vmem>>, vector<1x4x512x1xi8>
    %get3A_22 = vector.shape_cast %get3A_21 : vector<1x4x512x1xi8> to vector<4x512x1xi8>
    %convert_element_type3A = arith.sitofp %get3A_22 : vector<4x512x1xi8> to vector<4x512x1xf32>
    %get3A_23 = arith.constant 0 : index
    %get3A_24 = arith.constant 0 : index
    %get3A_25 = vector.load %arg6[%get3A_23, %get3A_24] : memref<2x1024xf32, #tpu.memory_space<vmem>>, vector<1x1024xf32>
    %broadcast_in_dim3A_26 = vector.shape_cast %get3A_25 : vector<1x1024xf32> to vector<1x1x1024xf32>
    %add3A_27 = vector.broadcast %broadcast_in_dim3A_26 : vector<1x1x1024xf32> to vector<4x512x1024xf32>
    %add3A_28 = arith.addf %add3A_16, %add3A_27 : vector<4x512x1024xf32>
    %get3A_29 = arith.constant 1 : index
    %get3A_30 = arith.constant 0 : index
    %get3A_31 = vector.load %arg6[%get3A_29, %get3A_30] : memref<2x1024xf32, #tpu.memory_space<vmem>>, vector<1x1024xf32>
    %get3A_32 = arith.constant 0 : index
    %get3A_33 = arith.constant 0 : index
    %get3A_34 = vector.load %arg6[%get3A_32, %get3A_33] : memref<2x1024xf32, #tpu.memory_space<vmem>>, vector<1x1024xf32>
    %sub3A = arith.subf %get3A_31, %get3A_34 : vector<1x1024xf32>
    %broadcast_in_dim3A_35 = vector.shape_cast %sub3A : vector<1x1024xf32> to vector<1x1x1024xf32>
    %mul3A = vector.broadcast %convert_element_type3A : vector<4x512x1xf32> to vector<4x512x1024xf32>
    %mul3A_36 = vector.broadcast %broadcast_in_dim3A_35 : vector<1x1x1024xf32> to vector<4x512x1024xf32>
    %mul3A_37 = arith.mulf %mul3A, %mul3A_36 : vector<4x512x1024xf32>
    %add3A_38 = arith.addf %add3A_28, %mul3A_37 : vector<4x512x1024xf32>
    %reduce_sum3A = arith.constant dense<0.000000e+00> : vector<4x512xf32>
    %reduce_sum3A_39 = vector.multi_reduction <add>, %add3A_38, %reduce_sum3A [2] : vector<4x512x1024xf32> to vector<4x512xf32>
    %broadcast_in_dim3A_40 = vector.shape_cast %reduce_sum3A_39 : vector<4x512xf32> to vector<4x512x1xf32>
    %div3A = arith.constant 1.024000e+03 : f32
    %div3A_41 = vector.broadcast %div3A : f32 to vector<4x512x1xf32>
    %div3A_42 = arith.divf %broadcast_in_dim3A_40, %div3A_41 : vector<4x512x1xf32>
    %sub3A_43 = vector.broadcast %div3A_42 : vector<4x512x1xf32> to vector<4x512x1024xf32>
    %sub3A_44 = arith.subf %add3A_38, %sub3A_43 : vector<4x512x1024xf32>
    %mul3A_45 = arith.mulf %sub3A_44, %sub3A_44 : vector<4x512x1024xf32>
    %reduce_sum3A_46 = arith.constant dense<0.000000e+00> : vector<4x512xf32>
    %reduce_sum3A_47 = vector.multi_reduction <add>, %mul3A_45, %reduce_sum3A_46 [2] : vector<4x512x1024xf32> to vector<4x512xf32>
    %broadcast_in_dim3A_48 = vector.shape_cast %reduce_sum3A_47 : vector<4x512xf32> to vector<4x512x1xf32>
    %div3A_49 = arith.constant 1.024000e+03 : f32
    %div3A_50 = vector.broadcast %div3A_49 : f32 to vector<4x512x1xf32>
    %div3A_51 = arith.divf %broadcast_in_dim3A_48, %div3A_50 : vector<4x512x1xf32>
    %add3A_52 = arith.constant 9.99999974E-6 : f32
    %add3A_53 = vector.broadcast %add3A_52 : f32 to vector<4x512x1xf32>
    %add3A_54 = arith.addf %div3A_51, %add3A_53 : vector<4x512x1xf32>
    %rsqrt3A = math.rsqrt %add3A_54 : vector<4x512x1xf32>
    %mul3A_55 = vector.broadcast %rsqrt3A : vector<4x512x1xf32> to vector<4x512x1024xf32>
    %mul3A_56 = arith.mulf %sub3A_44, %mul3A_55 : vector<4x512x1024xf32>
    %get3A_57 = arith.constant 0 : index
    %get3A_58 = vector.load %arg7[%get3A_57] : memref<1024xf32, #tpu.memory_space<vmem>>, vector<1024xf32>
    %broadcast_in_dim3A_59 = vector.shape_cast %get3A_58 : vector<1024xf32> to vector<1x1x1024xf32>
    %mul3A_60 = vector.broadcast %broadcast_in_dim3A_59 : vector<1x1x1024xf32> to vector<4x512x1024xf32>
    %mul3A_61 = arith.mulf %mul3A_56, %mul3A_60 : vector<4x512x1024xf32>
    %get3A_62 = arith.constant 0 : index
    %get3A_63 = vector.load %arg8[%get3A_62] : memref<1024xf32, #tpu.memory_space<vmem>>, vector<1024xf32>
    %broadcast_in_dim3A_64 = vector.shape_cast %get3A_63 : vector<1024xf32> to vector<1x1x1024xf32>
    %add3A_65 = vector.broadcast %broadcast_in_dim3A_64 : vector<1x1x1024xf32> to vector<4x512x1024xf32>
    %add3A_66 = arith.addf %mul3A_61, %add3A_65 : vector<4x512x1024xf32>
    %swap3A = arith.constant 0 : index
    %swap3A_67 = arith.constant 0 : index
    %swap3A_68 = arith.constant 0 : index
    %swap3A_69 = vector.load %arg9[%swap3A, %swap3A_67, %swap3A_68] : memref<4x512x1024xf32, #tpu.memory_space<vmem>>, vector<4x512x1024xf32>
    tpu.vector_store %arg9[%swap3A, %swap3A_67, %swap3A_68], %add3A_66 {strides = array<i32>} : memref<4x512x1024xf32, #tpu.memory_space<vmem>>, vector<4x512x1024xf32>,
    return
  }
  func.func @transform_0(%arg0: i32) -> (i32, i32, i32) {
    %c0_i32 = arith.constant 0 : i32
    %c0_i32_0 = arith.constant 0 : i32
    %c0_i32_1 = arith.constant 0 : i32
    return %c0_i32, %arg0, %c0_i32_0 : i32, i32, i32
  }
  func.func @transform_1(%arg0: i32) -> (i32, i32, i32, i32) {
    %c0_i32 = arith.constant 0 : i32
    %c0_i32_0 = arith.constant 0 : i32
    %c0_i32_1 = arith.constant 0 : i32
    %c0_i32_2 = arith.constant 0 : i32
    return %arg0, %c0_i32, %c0_i32_0, %c0_i32_1 : i32, i32, i32, i32
  }
  func.func @transform_2(%arg0: i32) -> (i32, i32) {
    %c0_i32 = arith.constant 0 : i32
    %c0_i32_0 = arith.constant 0 : i32
    %c0_i32_1 = arith.constant 0 : i32
    return %c0_i32, %c0_i32_0 : i32, i32
  }
  func.func @transform_3(%arg0: i32) -> i32 {
    %c0_i32 = arith.constant 0 : i32
    %c0_i32_0 = arith.constant 0 : i32
    return %c0_i32 : i32
  }
  func.func @transform_4(%arg0: i32) -> (i32, i32) {
    %c0_i32 = arith.constant 0 : i32
    %c0_i32_0 = arith.constant 0 : i32
    return %arg0, %c0_i32 : i32, i32
  }
  func.func @transform_5(%arg0: i32) -> (i32, i32) {
    %c0_i32 = arith.constant 0 : i32
    %c0_i32_0 = arith.constant 0 : i32
    %c0_i32_1 = arith.constant 0 : i32
    return %c0_i32, %c0_i32_0 : i32, i32
  }
  func.func @transform_6(%arg0: i32) -> i32 {
    %c0_i32 = arith.constant 0 : i32
    %c0_i32_0 = arith.constant 0 : i32
    return %c0_i32 : i32
  }
  func.func @transform_7(%arg0: i32) -> i32 {
    %c0_i32 = arith.constant 0 : i32
    %c0_i32_0 = arith.constant 0 : i32
    return %c0_i32 : i32
  }
  func.func @transform_8(%arg0: i32) -> (i32, i32, i32) {
    %c0_i32 = arith.constant 0 : i32
    %c0_i32_0 = arith.constant 0 : i32
    %c0_i32_1 = arith.constant 0 : i32
    return %c0_i32, %arg0, %c0_i32_0 : i32, i32, i32
  }
}

</mosaic_0001>

<sc_bundles>
// kernel: kernel.4.cloned.1.call-start
scs
__scs_entry_jumppad:
0x0: {  	(pc) =	sbr.rel $0x88, $3  }
0x1: {  	(tag) =	ssettag $0x0;
	lr =	simm.s32 $0x1  }
0x2: {  	[smem:$0x3F98] =	sst lr;
	_ =	strace $0xD0000000  }
0x3: {  	_ = 	snop  }
0x4: {  	_ = 	snop  }
0x5: {  	_ = 	snop  }
0x6: {  	_ = 	snop  }
0x7: {  	_ = 	snop  }
__scs_overlays_trampoline_lowered:
0x8: {  	[smem:$0x3FA7] =	sst s0  }
0x9: {  	[smem:$0x3FA8] =	sst s1  }
0xa: {  	[smem:$0x3FA9] =	sst s2  }
0xb: {  	[smem:$0x3FAA] =	sst s3  }
0xc: {  	[smem:$0x3FAB] =	sst s4  }
0xd: {  	[smem:$0x3FAC] =	sst s5  }
0xe: {  	[smem:$0x3FAD] =	sst s6  }
0xf: {  	[smem:$0x3FAE] =	sst s7  }
0x10: {  	[smem:$0x3FAF] =	sst s8  }
0x11: {  	[smem:$0x3FB0] =	sst s9;
	s0 =	simm.s32 @!p0 $0x0  }
0x12: {  	s1 =	sld [smem:$0x3F96];
	s0 =	simm.s32 @p0 $0x1  }
0x13: {  	[smem:$0x3FB1] =	sst s0;
	s0 =	simm.s32 @!p1 $0x0  }
0x14: {  	s2 =	sld [smem:$0x3F95];
	s0 =	simm.s32 @p1 $0x1  }
0x15: {  	[smem:$0x3FB2] =	sst s0;
	s0 =	simm.s32 @!p2 $0x0  }
0x16: {  	s3 =	sld [smem:$0x3FDB];
	s0 =	simm.s32 @p2 $0x1  }
0x17: {  	s4 =	simm.s32 $0x1BF5;
	[smem:$0x3FB4] =	sst s0  }
0x18: {  	s0 =	sld [smem:$0x3F97];
	_ =	swait.ge [sflag:s4], $0x0  }
0x19: {  	s7 =	sld [smem:$0x3F98]  }
0x1a: {  	s8 =	sadd.s32 $0xFFFFE003, lr  }
0x1b: {  	s9 =	sadd.s32 $0xFFFFFEF7, lr;
	s5 =	simm.s32 $0xFFFFFFFF;
	p2 =	slt.u32 s8, $0xFFFFF086  }
0x1c: {  	p1 =	slt.u32 s9, $0xF7A;
	s5 =	simm.s32 @!p2 $0x0  }
0x1d: {  	s5 =	simm.s32 @p1 $0x1;
	p0 =	seq.s32 s7, s2  }
0x1e: {  	s7 =	smul.u32 @!p0 $0xF7A, s2;
	p2 =	seq.s32 @!p0 s5, $0x0  }
0x1f: {  	s9 =	smul.u32 $0xF7A, s1;
	s8 =	simm.s32 @!p0 $0x1BF5;
	p2 =	por !p2, p0  }
0x20: {  	[sflag:s8] =	ssyncset.s32 @!p0 $0xFFFFF086;
	s6 =	sadd.s32 @!p0 s3, s7;
	s7 =	simm.s32 @!p0 $0x108  }
0x21: {  	s3 =	sadd.s32 s3, s9;
	s6 =	sadd.s32 @!p0 $0x88, s6;
	s7 =	simm.s32 @p2 $0x1082  }
0x22: {  	[simem:s7], [sflag:s8] =	dma.local @!p0 [hbm:s6], $0xF7A  }
0x23: {  	s9 =	sor.u32 $0xD0000000, s2;
	s6 =	simm.s32 $0x108;
	_ =	swait.ge @!p0 [sflag:s8], $0x0  }
0x24: {  	s3 =	sadd.s32 $0x88, s3;
	s6 =	simm.s32 @!p1 $0x1082;
	[sflag:s4] =	ssyncset.s32 $0xFFFFF086  }
0x25: {  	[simem:s6], [sflag:s4] =	dma.local [hbm:s3], $0xF7A  }
0x26: {  	[smem:$0x3F98] =	sst s1;
	(tag) =	ssettag s2;
	_ =	strace s9  }
0x27: {  	s1 =	sld [smem:$0x3FA8]  }
0x28: {  	s2 =	sld [smem:$0x3FA9]  }
0x29: {  	s4 =	sld [smem:$0x3FAB]  }
0x2a: {  	p0 =	seq.s32 s5, $0x0;
	s5 =	sld [smem:$0x3FAC]  }
0x2b: {  	s6 =	sld [smem:$0x3FAD]  }
0x2c: {  	s7 =	sld [smem:$0x3FAE]  }
0x2d: {  	s3 =	simm.s32 $0x108;
	s8 =	sld [smem:$0x3FAF]  }
0x2e: {  	s3 =	simm.s32 @!p0 $0x1082;
	s9 =	sld [smem:$0x3FB0]  }
0x2f: {  	lr =	sadd.s32 s0, s3;
	s0 =	sld [smem:$0x3FA7]  }
0x30: {  	s3 =	sld [smem:$0x3FAA]  }
0x31: {  	[smem:$0x3FB3] =	sst s10  }
0x32: {  	s10 =	sld [smem:$0x3FB1];
	_ =	sdelay $0x3  }
0x33: {  	p0 =	seq.s32 s10, $0x1;
	s10 =	sld [smem:$0x3FB3];
	_ =	sdelay $0x3  }
0x34: {  	[smem:$0x3FB3] =	sst s10  }
0x35: {  	s10 =	sld [smem:$0x3FB2];
	_ =	sdelay $0x3  }
0x36: {  	p1 =	seq.s32 s10, $0x1;
	s10 =	sld [smem:$0x3FB3];
	_ =	sdelay $0x3  }
0x37: {  	[smem:$0x3FB3] =	sst s10  }
0x38: {  	s10 =	sld [smem:$0x3FB4]  }
0x39: {  	_ = 	snop;
	(pc) =	sbr.ind lr, $3  }
0x3a: {  	_ = 	snop  }
0x3b: {  	_ = 	snop  }
0x3c: {  	p2 =	seq.s32 s10, $0x1;
	s10 =	sld [smem:$0x3FB3]  }
0x3d: {  	_ =	shalt  }
0x3e: {  	_ =	shalt  }
0x3f: {  	_ =	shalt  }
0x40: {  	_ =	shalt  }
0x41: {  	_ =	shalt  }
0x42: {  	_ =	shalt  }
0x43: {  	_ =	shalt  }
0x44: {  	_ =	shalt  }
0x45: {  	_ =	shalt  }
0x46: {  	_ =	shalt  }
0x47: {  	_ =	shalt  }
0x48: {  	_ =	shalt  }
0x49: {  	_ =	shalt  }
0x4a: {  	_ =	shalt  }
0x4b: {  	_ =	shalt  }
0x4c: {  	_ =	shalt  }
0x4d: {  	_ =	shalt  }
0x4e: {  	_ =	shalt  }
0x4f: {  	_ =	shalt  }
0x50: {  	_ =	shalt  }
0x51: {  	_ =	shalt  }
0x52: {  	_ =	shalt  }
0x53: {  	_ =	shalt  }
0x54: {  	_ =	shalt  }
0x55: {  	_ =	shalt  }
0x56: {  	_ =	shalt  }
0x57: {  	_ =	shalt  }
0x58: {  	_ =	shalt  }
0x59: {  	_ =	shalt  }
0x5a: {  	_ =	shalt  }
0x5b: {  	_ =	shalt  }
0x5c: {  	_ =	shalt  }
0x5d: {  	_ =	shalt  }
0x5e: {  	_ =	shalt  }
0x5f: {  	_ =	shalt  }
0x60: {  	_ =	shalt  }
0x61: {  	_ =	shalt  }
0x62: {  	_ =	shalt  }
0x63: {  	_ =	shalt  }
0x64: {  	_ =	shalt  }
0x65: {  	_ =	shalt  }
0x66: {  	_ =	shalt  }
0x67: {  	_ =	shalt  }
0x68: {  	_ =	shalt  }
0x69: {  	_ =	shalt  }
0x6a: {  	_ =	shalt  }
0x6b: {  	_ =	shalt  }
0x6c: {  	_ =	shalt  }
0x6d: {  	_ =	shalt  }
0x6e: {  	_ =	shalt  }
0x6f: {  	_ =	shalt  }
0x70: {  	_ =	shalt  }
0x71: {  	_ =	shalt  }
0x72: {  	_ =	shalt  }
0x73: {  	_ =	shalt  }
0x74: {  	_ =	shalt  }
0x75: {  	_ =	shalt  }
0x76: {  	_ =	shalt  }
0x77: {  	_ =	shalt  }
0x78: {  	_ =	shalt  }
0x79: {  	_ =	shalt  }
0x7a: {  	_ =	shalt  }
0x7b: {  	_ =	shalt  }
0x7c: {  	_ =	shalt  }
0x7d: {  	_ =	shalt  }
0x7e: {  	_ =	shalt  }
0x7f: {  	_ =	shalt  }
0x80: {  	_ =	shalt  }
0x81: {  	_ =	shalt  }
0x82: {  	_ =	shalt  }
0x83: {  	_ =	shalt  }
0x84: {  	_ =	shalt  }
0x85: {  	_ =	shalt  }
0x86: {  	_ =	shalt  }
0x87: {  	_ =	shalt  }
.Lfunc_end0:
.L_simem_size_0:
called_computation_lowered:
.L_overlay_start_0:
0x88: {  	s2 =	sld [smem:$0x3FD9]  }
0x89: {  	s3 =	sld [smem:$0x3FFE];
	_ =	sdelay $0x1  }
0x8a: {  	s1 =	srdreg.scid  }
0x8b: {  	s0 =	sand.u32 $0x1, s1  }
0x8c: {  	s18 =	sshll.u32 s0, $0xA;
	s2 =	sadd.s32 s3, s2  }
0x8d: {  	s2 =	sadd.s32 s2, s18  }
0x8e: {  	[smem:$0x3FBF] =	sst s2  }
0x8f: {  	_ = 	snop  }
0x90: {  	s2 =	sld [smem:$0x3FC9]  }
0x91: {  	s19 =	sld [smem:$0x3FC7]  }
0x92: {  	s4 =	sld [smem:$0x3FD0];
	(tm) =	ssettm $0x1  }
0x93: {  	s5 =	sld [smem:$0x3FFB];
	_ =	sdelay $0x3  }
0x94: {  	_ =	strace s5  }
0x95: {  	s5 =	sld [smem:$0x3FFC];
	_ =	sdelay $0x3  }
0x96: {  	_ =	strace s5  }
0x97: {  	s5 =	sld [smem:$0x3FFD];
	_ =	sdelay $0x3  }
0x98: {  	_ =	strace s5  }
0x99: {  	_ =	strace $0x8FFFFFFF  }
0x9a: {  	s20 =	sld [smem:$0x3FDB];
	_ =	sdelay $0x1  }
0x9b: {  	s6 =	simm.s32 $_scs_section_size  }
0x9c: {  	s7 =	simm.s32 $_size__tile_overlayer_lowered;
	s8 =	simm.s32 $_tile_overlayer_lowered  }
0x9d: {  	s23 =	simm.s32 $0x1BFF;
	s22 =	sshll.u32 s8, $0x1;
	s5 =	sadd.s32 s6, s20  }
0x9e: {  	s9 =	simm.s32 $0x0;
	s21 =	sshll.u32 s7, $0x1;
	s7 =	sadd.s32 s22, s5  }
0x9f: {  	[timem:s9], [sflag:s23] =	dma.local [hbm:s7], s21  }
0xa0: {  	_ =	swait.ge [sflag:s23], s21  }
0xa1: {  	s6 =	ssub.s32 $0x0, s21;
	[sflag:s23] =	ssyncset.done $0x0  }
0xa2: {  	[sflag:s23] =	ssyncadd.s32 s6;
	_ =	sdelay $0x1  }
0xa3: {  	s24 =	simm.s32 $0x1B8B  }
0xa4: {  	_ =	swait.ge [sflag:s24], $0x1  }
0xa5: {  	[sflag:s24] =	ssyncset.done $0x0  }
0xa6: {  	s25 =	simm.s32 $0x1B8E;
	[sflag:s24] =	ssyncadd.s32 $0xFFFFFFFF  }
0xa7: {  	s26 =	simm.s32 $execute0_lowered;
	[smem:$0x3FD2] =	sst s25  }
0xa8: {  	s6 =	sshll.u32 s26, $0x1;
	_ =	strace $0x80000046;
	[dreg:$0x1] =	wrdreg $0xFFFFFFFF  }
0xa9: {  	s28 =	simm.s32 $_size_execute0_lowered;
	s5 =	sadd.s32 s5, s6;
	[dreg:$0x0] =	wrdreg $0x0  }
0xaa: {  	s6 =	sshll.u32 s28, $0x1;
	[dreg:$0x2] =	wrdreg s5  }
0xab: {  	[dreg:$0x3] =	wrdreg s6  }
0xac: {  	[dreg:$0x4] =	wrdreg $0xC0  }
0xad: {  	_ =	task [dreg:s9], $0x5FFFF  }
0xae: {  	[dreg:$0x1] =	wrdreg $0xFFFFFFFF  }
0xaf: {  	[dreg:$0x0] =	wrdreg $0x60  }
0xb0: {  	[dreg:$0x2] =	wrdreg s2  }
0xb1: {  	[dreg:$0x3] =	wrdreg s19  }
0xb2: {  	[dreg:$0x4] =	wrdreg s4  }
0xb3: {  	[dreg:$0x5] =	wrdreg $0x9  }
0xb4: {  	_ =	task.clear_ibuf [dreg:s9], $0x6FFFF;
	_ =	strace $0x90000046  }
0xb5: {  	s29 =	simm.s32 $0x9;
	_ =	strace $0x80000048  }
0xb6: {  	_ =	swait.ge [sflag:s29], $0x1  }
0xb7: {  	[sflag:s29] =	ssyncadd.s32 $0xFFFFFFFF  }
0xb8: {  	_ =	strace $0x90000048  }
0xb9: {  	_ =	sfence  }
0xba: {  	s30 =	sld [smem:$0x0];
	_ =	sdelay $0x2  }
0xbb: {  	s31 =	sshll.u32 s1, $0xD;
	s1 =	sshrl.u32 s1, $0x2  }
0xbc: {  	s3 =	sand.u32 $0x4000, s31;
	s1 =	sadd.s32 s1, s30  }
0xbd: {  	s0 =	sor.u32 s3, s0;
	s1 =	sshll.u32 s1, $0x11  }
0xbe: {  	s0 =	sor.u32 s1, s0  }
0xbf: {  	s0 =	sadd.s32 $0x8F2B, s0  }
0xc0: {  	[sflag:s0] =	ssyncadd.remote.s32 $0x1  }
0xc1: {  	_ =	sfence.sel $0xFFFF  }
0xc2: {  	[dreg:$0x0] =	wrdreg $0xFFFFFFFF;
	(pc) =	sbr.abs _section_cstart, $3  }
0xc3: {  	[dreg:$0x1] =	wrdreg $0xFFFFFFFF  }
0xc4: {  	_ =	task.clear_ibuf [dreg:s9], $0x2FFFF;
	_ =	strace $0x9FFFFFFF  }
0xc5: {  	(tm) =	ssettm $0x7FFFFFFF  }
tec
execute0_lowered:
.L_overlay_start_1:
0x0: {  	(tag) =	ssettag $0x1  }
0x1: {  	s1 =	srdreg.scid  }
0x2: {  	s0 =	stileid.u32;
	s24 =	sand.u32 $0x1, s1  }
0x3: {  	s4 =	rddreg [dreg:$0x0];
	s30 =	sshll.u32 s0, $0x9;
	s2 =	sshll.u32 s24, $0x8  }
0x4: {  	s16 =	rddreg [dreg:$0x2];
	s31 =	sshrl.u32 s0, $0x2;
	s15 =	sor.u32 s2, s30  }
0x5: {  	s7 =	simm.s32 $0x9;
	s5 =	sshll.u32 s31, $0xD;
	s3 =	sshll.u32 s15, $0x2  }
0x6: {  	s1 =	rddreg [dreg:$0x3];
	s6 =	sshll.u32 s31, $0x7;
	s5 =	ssub.s32 s3, s5  }
0x7: {  	s2 =	rddreg [dreg:$0x1];
	s3 =	simm.s32 $0x0;
	s5 =	sor.u32 s6, s5  }
0x8: {  	[smem:$0x7FF] =	sst s3;
	s6 =	simm.s32 $0x200;
	s5 =	sshrl.u32 s5, $0x3  }
0x9: {  	_ =	strace $0x80000047;
	s4 =	sadd.s32 s4, s5;
	s5 =	simm.s32 $0x80  }
0xa: {  	[tilespmem:s3], [sflag:$0x9] =	stream.strided.gather [hbm4b:s4+s5], $0x100, s6, s5, $0x38;
	[tilespmem:$0x8100] =	vst v63  }
0xb: {  	_ =	swait.ge [sflag:s7], $0x100  }
0xc: {  	[sflag:s7] =	ssyncset.done $0x0  }
0xd: {  	s8 =	simm.s32 $0x40;
	s9 =	simm.s32 $0x100;
	[sflag:s7] =	ssyncadd.s32 $0xFFFFFF00  }
0xe: {  	[tilespmem:s9], [sflag:$0x1] =	stream.indirect.gather [hbm4b:s2+s8], $0x80, s3, s8, $0xb8;
	[tilespmem:$0x8100] =	vst v63  }
0xf: {  	s10 =	simm.s32 $0x2100  }
0x10: {  	[tilespmem:s10], [sflag:$0x2] =	stream.indirect.gather [hbm4b:s2+s8], $0x80, s8, s8, $0xb8;
	[tilespmem:$0x8100] =	vst v63  }
0x11: {  	s11 =	simm.s32 $0x4100  }
0x12: {  	[tilespmem:s11], [sflag:$0x3] =	stream.indirect.gather [hbm4b:s2+s8], $0x80, s5, s8, $0xb8;
	[tilespmem:$0x8100] =	vst v63  }
0x13: {  	s12 =	simm.s32 $0xC0;
	s13 =	simm.s32 $0x6100;
	s14 =	simm.s32 $0x1  }
0x14: {  	[tilespmem:s13], [sflag:$0x4] =	stream.indirect.gather [hbm4b:s2+s8], $0x80, s12, s8, $0xb8;
	[tilespmem:$0x8100] =	vst v63  }
0x15: {  	_ =	swait.ge [sflag:s14], $0x2000  }
0x16: {  	s15 =	sshll.u32 s15, $0x4;
	[sflag:s14] =	ssyncset.done $0x0  }
0x17: {  	s15 =	sadd.s32 s16, s15;
	s16 =	simm.s32 $0x2;
	[sflag:s14] =	ssyncadd.s32 $0xFFFFE000  }
0x18: {  	[hbm4b:s15+s3] =	stream.linear.scatter [tilespmem:s9], [sflag:$0x5], $0x2000, $0x38;
	[tilespmem:$0x8100] =	vst v63  }
0x19: {  	_ =	swait.ge [sflag:s16], $0x2000  }
0x1a: {  	[sflag:s16] =	ssyncset.done $0x0  }
0x1b: {  	s18 =	simm.s32 $0x3;
	s17 =	sadd.s32 $0x400, s15;
	[sflag:s16] =	ssyncadd.s32 $0xFFFFE000  }
0x1c: {  	[hbm4b:s17+s3] =	stream.linear.scatter [tilespmem:s10], [sflag:$0x6], $0x2000, $0x38;
	[tilespmem:$0x8100] =	vst v63  }
0x1d: {  	_ =	swait.ge [sflag:s18], $0x2000  }
0x1e: {  	[sflag:s18] =	ssyncset.done $0x0  }
0x1f: {  	s20 =	simm.s32 $0x4;
	s19 =	sadd.s32 $0x800, s15;
	[sflag:s18] =	ssyncadd.s32 $0xFFFFE000  }
0x20: {  	[hbm4b:s19+s3] =	stream.linear.scatter [tilespmem:s11], [sflag:$0x7], $0x2000, $0x38;
	[tilespmem:$0x8100] =	vst v63  }
0x21: {  	_ =	swait.ge [sflag:s20], $0x2000  }
0x22: {  	[sflag:s20] =	ssyncset.done $0x0  }
0x23: {  	s22 =	simm.s32 $0x5;
	s21 =	sadd.s32 $0xC00, s15;
	[sflag:s20] =	ssyncadd.s32 $0xFFFFE000  }
0x24: {  	[hbm4b:s21+s3] =	stream.linear.scatter [tilespmem:s13], [sflag:$0x8], $0x2000, $0x38;
	[tilespmem:$0x8100] =	vst v63  }
0x25: {  	_ =	swait.ge [sflag:s22], $0x2000  }
0x26: {  	s25 =	ssub.s32 $0x2, s24;
	[sflag:s22] =	ssyncset.done $0x0  }
0x27: {  	s23 =	simm.s32 $0x6;
	s26 =	sshrl.u32 s25, $0x1;
	[sflag:s22] =	ssyncadd.s32 $0xFFFFE000  }
0x28: {  	s25 =	ssub.s32 s25, s26;
	_ =	swait.ge [sflag:s23], $0x2000  }
0x29: {  	s26 =	smax.u32 s25, $0x1;
	[sflag:s23] =	ssyncset.done $0x0  }
0x2a: {  	s24 =	simm.s32 $0x7;
	p0 =	sne.s32 s26, $0x1;
	[sflag:s23] =	ssyncadd.s32 $0xFFFFE000  }
.Ltmp0:
0x2b: {  	_ =	swait.ge [sflag:s24], $0x2000;
	(pc) =	sbr.rel @!p0 .LBB2_2-.Ltmp0, $4  }
0x2c: {  	[sflag:s24] =	ssyncset.done $0x0  }
0x2d: {  	s25 =	simm.s32 $0x8;
	[sflag:s24] =	ssyncadd.s32 $0xFFFFE000  }
0x2e: {  	_ =	swait.ge [sflag:s25], $0x2000  }
0x2f: {  	s26 =	sadd.s32 $0xFFFFFFFF, s26;
	[sflag:s25] =	ssyncset.done $0x0  }
.LBB2_1:
0x30: {  	p0 =	sne.s32 s26, $0x1;
	s26 =	sadd.s32 $0xFFFFFFFF, s26;
	[sflag:s25] =	ssyncadd.s32 $0xFFFFE000  }
0x31: {  	[tilespmem:s3], [sflag:$0x9] =	stream.strided.gather [hbm4b:s4+s5], $0x100, s6, s5, $0x38;
	[tilespmem:$0x8100] =	vst v63  }
0x32: {  	_ =	swait.ge [sflag:s7], $0x100  }
0x33: {  	[sflag:s7] =	ssyncset.done $0x0  }
0x34: {  	[sflag:s7] =	ssyncadd.s32 $0xFFFFFF00  }
0x35: {  	[tilespmem:s9], [sflag:$0x1] =	stream.indirect.gather [hbm4b:s2+s8], $0x80, s3, s8, $0xb8;
	[tilespmem:$0x8100] =	vst v63  }
0x36: {  	_ = 	snop  }
0x37: {  	[tilespmem:s10], [sflag:$0x2] =	stream.indirect.gather [hbm4b:s2+s8], $0x80, s8, s8, $0xb8;
	[tilespmem:$0x8100] =	vst v63  }
0x38: {  	_ = 	snop  }
0x39: {  	[tilespmem:s11], [sflag:$0x3] =	stream.indirect.gather [hbm4b:s2+s8], $0x80, s5, s8, $0xb8;
	[tilespmem:$0x8100] =	vst v63  }
0x3a: {  	_ = 	snop  }
0x3b: {  	[tilespmem:s13], [sflag:$0x4] =	stream.indirect.gather [hbm4b:s2+s8], $0x80, s12, s8, $0xb8;
	[tilespmem:$0x8100] =	vst v63  }
0x3c: {  	_ =	swait.ge [sflag:s14], $0x2000  }
0x3d: {  	[sflag:s14] =	ssyncset.done $0x0  }
0x3e: {  	[sflag:s14] =	ssyncadd.s32 $0xFFFFE000  }
0x3f: {  	[hbm4b:s15+s3] =	stream.linear.scatter [tilespmem:s9], [sflag:$0x5], $0x2000, $0x38;
	[tilespmem:$0x8100] =	vst v63  }
0x40: {  	_ =	swait.ge [sflag:s16], $0x2000  }
0x41: {  	[sflag:s16] =	ssyncset.done $0x0  }
0x42: {  	[sflag:s16] =	ssyncadd.s32 $0xFFFFE000  }
0x43: {  	[hbm4b:s17+s3] =	stream.linear.scatter [tilespmem:s10], [sflag:$0x6], $0x2000, $0x38;
	[tilespmem:$0x8100] =	vst v63  }
0x44: {  	_ =	swait.ge [sflag:s18], $0x2000  }
0x45: {  	[sflag:s18] =	ssyncset.done $0x0  }
0x46: {  	[sflag:s18] =	ssyncadd.s32 $0xFFFFE000  }
0x47: {  	[hbm4b:s19+s3] =	stream.linear.scatter [tilespmem:s11], [sflag:$0x7], $0x2000, $0x38;
	[tilespmem:$0x8100] =	vst v63  }
0x48: {  	_ =	swait.ge [sflag:s20], $0x2000  }
0x49: {  	[sflag:s20] =	ssyncset.done $0x0  }
0x4a: {  	[sflag:s20] =	ssyncadd.s32 $0xFFFFE000  }
0x4b: {  	[hbm4b:s21+s3] =	stream.linear.scatter [tilespmem:s13], [sflag:$0x8], $0x2000, $0x38;
	[tilespmem:$0x8100] =	vst v63  }
0x4c: {  	_ =	swait.ge [sflag:s22], $0x2000  }
0x4d: {  	[sflag:s22] =	ssyncset.done $0x0  }
0x4e: {  	[sflag:s22] =	ssyncadd.s32 $0xFFFFE000  }
0x4f: {  	_ =	swait.ge [sflag:s23], $0x2000  }
0x50: {  	[sflag:s23] =	ssyncset.done $0x0  }
0x51: {  	[sflag:s23] =	ssyncadd.s32 $0xFFFFE000  }
.Ltmp1:
0x52: {  	_ =	swait.ge [sflag:s24], $0x2000;
	(pc) =	sbr.rel @p0 .LBB2_1-.Ltmp1, $4  }
0x53: {  	[sflag:s24] =	ssyncset.done $0x0  }
0x54: {  	[sflag:s24] =	ssyncadd.s32 $0xFFFFE000  }
0x55: {  	_ =	swait.ge [sflag:s25], $0x2000  }
0x56: {  	[sflag:s25] =	ssyncset.done $0x0  }
.LBB2_2:
0x57: {  	[sflag:s25] =	ssyncadd.s32 $0xFFFFE000  }
0x58: {  	_ =	sfence.sel $0x180000  }
0x59: {  	[bflag:$0x0] =	sbarrier.arrive $0xFFFF  }
0x5a: {  	p0 =	sne.s32 s0, $0x0;
	_ =	strace $0x90000047  }
0x5b: {  	s0 =	sadd.s32 @!p0 $0x100000, s1;
	[bflag:$0x2] =	sbarrier.arrive $0xFFFF  }
0x5c: {  	[sflag:s0] =	ssyncadd.tile.s32 @!p0 $0x1;
	_ =	shalt  }
.Lfunc_end2:
_tile_overlayer_lowered:
.L_overlay_start_2:
0x5d: {  	(tag) =	ssettag $0x2  }
0x5e: {  	s0 =	rddreg [dreg:$0x0];
	s2 =	stileid.u32  }
0x5f: {  	s1 =	rddreg [dreg:$0x1];
	p0 =	sne.s32 s2, $0x0  }
0x60: {  	s3 =	rddreg [dreg:$0x2];
	[bflag:$0x3] =	sbarrier.arrive $0xFFFF;
	s2 =	simm.s32 @!p0 $0x1C09  }
0x61: {  	[timem:s3], [sflag:s2] =	dma.local @!p0 [hbm:s0], s1  }
0x62: {  	s0 =	simm.s32 @!p0 $0x9  }
0x63: {  	_ =	swait.ge @!p0 [sflag:s0], s1  }
0x64: {  	s1 =	ssub.s32 @!p0 $0x0, s1;
	[sflag:s0] =	ssyncset.done @!p0 $0x0  }
0x65: {  	[sflag:s0] =	ssyncadd.s32 @!p0 s1  }
0x66: {  	[bflag:$0x3] =	sbarrier.arrive $0xFFFF  }
0x67: {  	_ =	shalt  }

</sc_bundles>
